<compile_context>
chip_gen: v7x
topology: tpu7x:2x2x1
jax: 0.10.2.dev20260603
libtpu: 0.0.44.dev20260713+nightly
codegen_flags: <defaults>
</compile_context>

<pallas_src>
import functools

import jax
import jax.numpy as jnp
from jax import lax
from jax.experimental import pallas as pl
from jax.experimental.pallas import tpu as pltpu
from jax.experimental.pallas import tpu_sc as plsc

_B, _H, _S, _D = 16, 8, 8, 128
_ROWS = _B * _H * _S
_NC, _NS = 2, 16
_NW = _NC * _NS
_RPW = _ROWS // _NW
_L = 16

_mesh = plsc.VectorSubcoreMesh(core_axis_name="c", subcore_axis_name="s")


@functools.partial(
    pl.kernel,
    out_type=(
        jax.ShapeDtypeStruct((_ROWS, _D), jnp.float32),
        jax.ShapeDtypeStruct((_ROWS, _D), jnp.float32),
    ),
    mesh=_mesh,
    scratch_types=[
        pltpu.VMEM((_RPW,), jnp.int32),
        pltpu.VMEM((_RPW, _D), jnp.float32),
        pltpu.VMEM((_RPW, _D), jnp.float32),
        pltpu.SemaphoreType.DMA,
        pltpu.SemaphoreType.DMA,
        pltpu.SemaphoreType.DMA,
        pltpu.SemaphoreType.DMA,
    ],
)
def _sc_scatter(k_hbm, v_hbm, k_out, v_out, idx_v, kbuf, vbuf,
                kin, vin, kout_sem, vout_sem):
    wid = lax.axis_index("s") * _NC + lax.axis_index("c")
    base = wid * _RPW
    kcp = pltpu.async_copy(k_hbm.at[pl.ds(base, _RPW)], kbuf, kin)
    vcp = pltpu.async_copy(v_hbm.at[pl.ds(base, _RPW)], vbuf, vin)
    for j in range(_RPW // _L):
        idx_v[pl.ds(j * _L, _L)] = base + j * _L + lax.iota(jnp.int32, _L)
    kcp.wait()
    ksc = pltpu.async_copy(kbuf, k_out.at[idx_v], kout_sem)
    vcp.wait()
    vsc = pltpu.async_copy(vbuf, v_out.at[idx_v], vout_sem)
    ksc.wait()
    vsc.wait()


def kernel(k_val, v_val, k_cache, v_cache):
    del k_cache, v_cache
    k2 = k_val.reshape(_ROWS, _D)
    v2 = v_val.reshape(_ROWS, _D)
    k_out, v_out = _sc_scatter(k2, v2)
    return (
        k_out.reshape(_B, _H, _S, _D),
        v_out.reshape(_B, _H, _S, _D),
    )

# --- scband reference (transcript-rebuilt; emitter-appended) ---
"""Pipeline reference for scband-kvcache-8650064134638 (READ-ONLY COPY).

The authoritative reference and input builder live on the scoring server;
editing this copy changes nothing except your own understanding.
"""

import jax, jax.numpy as jnp
import numpy as np

B, H, S_NEW, D, MAX_SEQ = 16, 8, 8, 128, 4096

def setup_inputs(seed: int = 0) -> dict:
    key = jax.random.key(seed)
    k1, k2 = jax.random.split(key)
    return {
        "k_val": jax.random.normal(k1, (B, H, S_NEW, D), dtype=jnp.float32),
        "v_val": jax.random.normal(k2, (B, H, S_NEW, D), dtype=jnp.float32),
        # persistent cache buffers (zero-initialized, cache_pos starts at 0)
        "k_cache": jnp.zeros((B, H, MAX_SEQ, D), dtype=jnp.float32),
        "v_cache": jnp.zeros((B, H, MAX_SEQ, D), dtype=jnp.float32),
    }

def reference(k_val, v_val, k_cache, v_cache):
    # KVCache.update: scatter-overwrite k_val/v_val into the caches at
    # positions cache_pos[:seq_len] (cache_pos starts at arange(MAX_SEQ), pos 0),
    # then return the filled prefix of each cache (size = seq_len after update).
    seq_len = k_val.shape[2]
    cache_pos = jnp.arange(MAX_SEQ)
    pos = cache_pos[:seq_len]
    k_out = k_cache.at[:, :, pos, :].set(k_val)
    v_out = v_cache.at[:, :, pos, :].set(v_val)
    return (k_out[:, :, :seq_len, :], v_out[:, :, :seq_len, :])

if __name__ == "__main__":
    import jax
    _d = setup_inputs()
    print(jax.jit(kernel)(*tuple(_d.values())))

</pallas_src>

<mosaic_0001>
#map = affine_map<(d0, d1) -> (0, 0)>
module attributes {stable_mosaic.version = 14 : i64} {
  func.func @_sc_scatter(%arg0: i32, %arg1: i32, %arg2: memref<1024x128xf32, #tpu.memory_space<hbm>>, %arg3: memref<1024x128xf32, #tpu.memory_space<hbm>>, %arg4: memref<1024x128xf32, #tpu.memory_space<hbm>>, %arg5: memref<1024x128xf32, #tpu.memory_space<hbm>>, %arg6: memref<32xi32, #tpu.memory_space<vmem>>, %arg7: memref<32x128xf32, #tpu.memory_space<vmem>>, %arg8: memref<32x128xf32, #tpu.memory_space<vmem>>, %arg9: memref<!tpu.dma_semaphore, #tpu.memory_space<semaphore_mem>>, %arg10: memref<!tpu.dma_semaphore, #tpu.memory_space<semaphore_mem>>, %arg11: memref<!tpu.dma_semaphore, #tpu.memory_space<semaphore_mem>>, %arg12: memref<!tpu.dma_semaphore, #tpu.memory_space<semaphore_mem>>) attributes {dimension_semantics = [#tpu.dimension_semantics<core_parallel>, #tpu.dimension_semantics<subcore_parallel>], iteration_bounds = array<i64: 2, 16>, scalar_prefetch = 0 : i64, scratch_operands = 7 : i64, tpu.core_type = #tpu.core_type<sc_vector_subcore>, window_params = [{transform_indices = #map}, {transform_indices = #map}, {transform_indices = #map}, {transform_indices = #map}]} {
    %mul3A = arith.constant 2 : i32
    %mul3A_0 = arith.muli %arg1, %mul3A : i32
    %add3A = arith.addi %mul3A_0, %arg0 : i32
    %mul3A_1 = arith.constant 32 : i32
    %mul3A_2 = arith.muli %add3A, %mul3A_1 : i32
    %dma_start3A = arith.constant 0 : i32
    %dma_start3A_3 = tpu.memref_slice %arg2[%mul3A_2, %dma_start3A] : memref<1024x128xf32, #tpu.memory_space<hbm>> -> memref<32x128xf32, #tpu.memory_space<hbm>>
    %dma_start3A_4 = arith.constant 0 : i32
    %dma_start3A_5 = tpu.memref_slice %arg2[%mul3A_2, %dma_start3A_4] : memref<1024x128xf32, #tpu.memory_space<hbm>> -> memref<32x128xf32, #tpu.memory_space<hbm>>
    tpu.enqueue_dma source(%dma_start3A_5 : memref<32x128xf32, #tpu.memory_space<hbm>>) target(%arg7 : memref<32x128xf32, #tpu.memory_space<vmem>>) target_semaphore(%arg9 : memref<!tpu.dma_semaphore, #tpu.memory_space<semaphore_mem>>)
    %dma_start3A_6 = arith.constant 0 : i32
    %dma_start3A_7 = tpu.memref_slice %arg3[%mul3A_2, %dma_start3A_6] : memref<1024x128xf32, #tpu.memory_space<hbm>> -> memref<32x128xf32, #tpu.memory_space<hbm>>
    %dma_start3A_8 = arith.constant 0 : i32
    %dma_start3A_9 = tpu.memref_slice %arg3[%mul3A_2, %dma_start3A_8] : memref<1024x128xf32, #tpu.memory_space<hbm>> -> memref<32x128xf32, #tpu.memory_space<hbm>>
    tpu.enqueue_dma source(%dma_start3A_9 : memref<32x128xf32, #tpu.memory_space<hbm>>) target(%arg8 : memref<32x128xf32, #tpu.memory_space<vmem>>) target_semaphore(%arg10 : memref<!tpu.dma_semaphore, #tpu.memory_space<semaphore_mem>>)
    %add3A_10 = arith.constant 0 : i32
    %add3A_11 = arith.addi %mul3A_2, %add3A_10 : i32
    %iota3A = tpu.iota {dimensions = array<i32: 0>} : vector<16xi32>
    %add3A_12 = vector.broadcast %add3A_11 : i32 to vector<16xi32>
    %add3A_13 = arith.addi %add3A_12, %iota3A : vector<16xi32>
    %swap3A = arith.constant 0 : index
    %swap3A_14 = tpu.vector_load %arg6[%swap3A] {strides = array<i32>} : memref<32xi32, #tpu.memory_space<vmem>>, vector<16xi32>,
    %swap3A_15 = vector.shape_cast %swap3A_14 : vector<16xi32> to vector<16xi32>
    %swap3A_16 = vector.shape_cast %add3A_13 : vector<16xi32> to vector<16xi32>
    tpu.vector_store %arg6[%swap3A], %swap3A_16 {strides = array<i32>} : memref<32xi32, #tpu.memory_space<vmem>>, vector<16xi32>,
    %add3A_17 = arith.constant 16 : i32
    %add3A_18 = arith.addi %mul3A_2, %add3A_17 : i32
    %iota3A_19 = tpu.iota {dimensions = array<i32: 0>} : vector<16xi32>
    %add3A_20 = vector.broadcast %add3A_18 : i32 to vector<16xi32>
    %add3A_21 = arith.addi %add3A_20, %iota3A_19 : vector<16xi32>
    %swap3A_22 = arith.constant 16 : index
    %swap3A_23 = tpu.vector_load %arg6[%swap3A_22] {strides = array<i32>} : memref<32xi32, #tpu.memory_space<vmem>>, vector<16xi32>,
    %swap3A_24 = vector.shape_cast %swap3A_23 : vector<16xi32> to vector<16xi32>
    %swap3A_25 = vector.shape_cast %add3A_21 : vector<16xi32> to vector<16xi32>
    tpu.vector_store %arg6[%swap3A_22], %swap3A_25 {strides = array<i32>} : memref<32xi32, #tpu.memory_space<vmem>>, vector<16xi32>,
    %dma_wait3A = arith.constant 0 : i32
    %dma_wait3A_26 = tpu.memref_slice %arg2[%mul3A_2, %dma_wait3A] : memref<1024x128xf32, #tpu.memory_space<hbm>> -> memref<32x128xf32, #tpu.memory_space<hbm>>
    %dma_wait3A_27 = arith.constant 0 : i32
    %dma_wait3A_28 = tpu.memref_slice %arg2[%mul3A_2, %dma_wait3A_27] : memref<1024x128xf32, #tpu.memory_space<hbm>> -> memref<32x128xf32, #tpu.memory_space<hbm>>
    tpu.wait_dma2 semaphore(%arg9 : memref<!tpu.dma_semaphore, #tpu.memory_space<semaphore_mem>>) src(%dma_wait3A_28 : memref<32x128xf32, #tpu.memory_space<hbm>>) dst(%arg7 : memref<32x128xf32, #tpu.memory_space<vmem>>)
    %dma_start3A_29 = arith.constant 0 : i32
    %dma_start3A_30 = arith.constant 0 : i32
    %dma_start3A_31 = tpu.memref_slice %arg4[%dma_start3A_29, %dma_start3A_30] : memref<1024x128xf32, #tpu.memory_space<hbm>> -> memref<1024x128xf32, #tpu.memory_space<hbm>>
    tpu.enqueue_indirect_dma source(%arg7 : memref<32x128xf32, #tpu.memory_space<vmem>>) target(%dma_start3A_31 : memref<1024x128xf32, #tpu.memory_space<hbm>>) offsets(%arg6 : memref<32xi32, #tpu.memory_space<vmem>>) semaphore(%arg11 : memref<!tpu.dma_semaphore, #tpu.memory_space<semaphore_mem>>)
    %dma_wait3A_32 = arith.constant 0 : i32
    %dma_wait3A_33 = tpu.memref_slice %arg3[%mul3A_2, %dma_wait3A_32] : memref<1024x128xf32, #tpu.memory_space<hbm>> -> memref<32x128xf32, #tpu.memory_space<hbm>>
    %dma_wait3A_34 = arith.constant 0 : i32
    %dma_wait3A_35 = tpu.memref_slice %arg3[%mul3A_2, %dma_wait3A_34] : memref<1024x128xf32, #tpu.memory_space<hbm>> -> memref<32x128xf32, #tpu.memory_space<hbm>>
    tpu.wait_dma2 semaphore(%arg10 : memref<!tpu.dma_semaphore, #tpu.memory_space<semaphore_mem>>) src(%dma_wait3A_35 : memref<32x128xf32, #tpu.memory_space<hbm>>) dst(%arg8 : memref<32x128xf32, #tpu.memory_space<vmem>>)
    %dma_start3A_36 = arith.constant 0 : i32
    %dma_start3A_37 = arith.constant 0 : i32
    %dma_start3A_38 = tpu.memref_slice %arg5[%dma_start3A_36, %dma_start3A_37] : memref<1024x128xf32, #tpu.memory_space<hbm>> -> memref<1024x128xf32, #tpu.memory_space<hbm>>
    tpu.enqueue_indirect_dma source(%arg8 : memref<32x128xf32, #tpu.memory_space<vmem>>) target(%dma_start3A_38 : memref<1024x128xf32, #tpu.memory_space<hbm>>) offsets(%arg6 : memref<32xi32, #tpu.memory_space<vmem>>) semaphore(%arg12 : memref<!tpu.dma_semaphore, #tpu.memory_space<semaphore_mem>>)
    %dma_wait3A_39 = arith.constant 0 : i32
    %dma_wait3A_40 = arith.constant 0 : i32
    %dma_wait3A_41 = tpu.memref_slice %arg4[%dma_wait3A_39, %dma_wait3A_40] : memref<1024x128xf32, #tpu.memory_space<hbm>> -> memref<1024x128xf32, #tpu.memory_space<hbm>>
    tpu.wait_indirect_dma semaphore(%arg11 : memref<!tpu.dma_semaphore, #tpu.memory_space<semaphore_mem>>) src(%arg7 : memref<32x128xf32, #tpu.memory_space<vmem>>) dst(%dma_wait3A_41 : memref<1024x128xf32, #tpu.memory_space<hbm>>)
    %dma_wait3A_42 = arith.constant 0 : i32
    %dma_wait3A_43 = arith.constant 0 : i32
    %dma_wait3A_44 = tpu.memref_slice %arg5[%dma_wait3A_42, %dma_wait3A_43] : memref<1024x128xf32, #tpu.memory_space<hbm>> -> memref<1024x128xf32, #tpu.memory_space<hbm>>
    tpu.wait_indirect_dma semaphore(%arg12 : memref<!tpu.dma_semaphore, #tpu.memory_space<semaphore_mem>>) src(%arg8 : memref<32x128xf32, #tpu.memory_space<vmem>>) dst(%dma_wait3A_44 : memref<1024x128xf32, #tpu.memory_space<hbm>>)
    return
  }
}

</mosaic_0001>

<sc_bundles>
// kernel: kernel.3.cloned.1.call-start
scs
__scs_entry_jumppad:
0x0: {  	(pc) =	sbr.rel $0x88, $3  }
0x1: {  	(tag) =	ssettag $0x0;
	lr =	simm.s32 $0x1  }
0x2: {  	[smem:$0x3F9F] =	sst lr;
	_ =	strace $0xD0000000  }
0x3: {  	_ = 	snop  }
0x4: {  	_ = 	snop  }
0x5: {  	_ = 	snop  }
0x6: {  	_ = 	snop  }
0x7: {  	_ = 	snop  }
__scs_overlays_trampoline_lowered:
0x8: {  	[smem:$0x3FAE] =	sst s0  }
0x9: {  	[smem:$0x3FAF] =	sst s1  }
0xa: {  	[smem:$0x3FB0] =	sst s2  }
0xb: {  	[smem:$0x3FB1] =	sst s3  }
0xc: {  	[smem:$0x3FB2] =	sst s4  }
0xd: {  	[smem:$0x3FB3] =	sst s5  }
0xe: {  	[smem:$0x3FB4] =	sst s6  }
0xf: {  	[smem:$0x3FB5] =	sst s7  }
0x10: {  	[smem:$0x3FB6] =	sst s8  }
0x11: {  	[smem:$0x3FB7] =	sst s9;
	s0 =	simm.s32 @!p0 $0x0  }
0x12: {  	s1 =	sld [smem:$0x3F9D];
	s0 =	simm.s32 @p0 $0x1  }
0x13: {  	[smem:$0x3FB8] =	sst s0;
	s0 =	simm.s32 @!p1 $0x0  }
0x14: {  	s2 =	sld [smem:$0x3F9C];
	s0 =	simm.s32 @p1 $0x1  }
0x15: {  	[smem:$0x3FB9] =	sst s0;
	s0 =	simm.s32 @!p2 $0x0  }
0x16: {  	s3 =	sld [smem:$0x3FDB];
	s0 =	simm.s32 @p2 $0x1  }
0x17: {  	s4 =	simm.s32 $0x1BF5;
	[smem:$0x3FBB] =	sst s0  }
0x18: {  	s0 =	sld [smem:$0x3F9E];
	_ =	swait.ge [sflag:s4], $0x0  }
0x19: {  	s7 =	sld [smem:$0x3F9F]  }
0x1a: {  	s8 =	sadd.s32 $0xFFFFE003, lr  }
0x1b: {  	s9 =	sadd.s32 $0xFFFFFEF7, lr;
	s5 =	simm.s32 $0xFFFFFFFF;
	p2 =	slt.u32 s8, $0xFFFFF086  }
0x1c: {  	p1 =	slt.u32 s9, $0xF7A;
	s5 =	simm.s32 @!p2 $0x0  }
0x1d: {  	s5 =	simm.s32 @p1 $0x1;
	p0 =	seq.s32 s7, s2  }
0x1e: {  	s7 =	smul.u32 @!p0 $0xF7A, s2;
	p2 =	seq.s32 @!p0 s5, $0x0  }
0x1f: {  	s9 =	smul.u32 $0xF7A, s1;
	s8 =	simm.s32 @!p0 $0x1BF5;
	p2 =	por !p2, p0  }
0x20: {  	[sflag:s8] =	ssyncset.s32 @!p0 $0xFFFFF086;
	s6 =	sadd.s32 @!p0 s3, s7;
	s7 =	simm.s32 @!p0 $0x108  }
0x21: {  	s3 =	sadd.s32 s3, s9;
	s6 =	sadd.s32 @!p0 $0x88, s6;
	s7 =	simm.s32 @p2 $0x1082  }
0x22: {  	[simem:s7], [sflag:s8] =	dma.local @!p0 [hbm:s6], $0xF7A  }
0x23: {  	s9 =	sor.u32 $0xD0000000, s2;
	s6 =	simm.s32 $0x108;
	_ =	swait.ge @!p0 [sflag:s8], $0x0  }
0x24: {  	s3 =	sadd.s32 $0x88, s3;
	s6 =	simm.s32 @!p1 $0x1082;
	[sflag:s4] =	ssyncset.s32 $0xFFFFF086  }
0x25: {  	[simem:s6], [sflag:s4] =	dma.local [hbm:s3], $0xF7A  }
0x26: {  	[smem:$0x3F9F] =	sst s1;
	(tag) =	ssettag s2;
	_ =	strace s9  }
0x27: {  	s1 =	sld [smem:$0x3FAF]  }
0x28: {  	s2 =	sld [smem:$0x3FB0]  }
0x29: {  	s4 =	sld [smem:$0x3FB2]  }
0x2a: {  	p0 =	seq.s32 s5, $0x0;
	s5 =	sld [smem:$0x3FB3]  }
0x2b: {  	s6 =	sld [smem:$0x3FB4]  }
0x2c: {  	s7 =	sld [smem:$0x3FB5]  }
0x2d: {  	s3 =	simm.s32 $0x108;
	s8 =	sld [smem:$0x3FB6]  }
0x2e: {  	s3 =	simm.s32 @!p0 $0x1082;
	s9 =	sld [smem:$0x3FB7]  }
0x2f: {  	lr =	sadd.s32 s0, s3;
	s0 =	sld [smem:$0x3FAE]  }
0x30: {  	s3 =	sld [smem:$0x3FB1]  }
0x31: {  	[smem:$0x3FBA] =	sst s10  }
0x32: {  	s10 =	sld [smem:$0x3FB8];
	_ =	sdelay $0x3  }
0x33: {  	p0 =	seq.s32 s10, $0x1;
	s10 =	sld [smem:$0x3FBA];
	_ =	sdelay $0x3  }
0x34: {  	[smem:$0x3FBA] =	sst s10  }
0x35: {  	s10 =	sld [smem:$0x3FB9];
	_ =	sdelay $0x3  }
0x36: {  	p1 =	seq.s32 s10, $0x1;
	s10 =	sld [smem:$0x3FBA];
	_ =	sdelay $0x3  }
0x37: {  	[smem:$0x3FBA] =	sst s10  }
0x38: {  	s10 =	sld [smem:$0x3FBB]  }
0x39: {  	_ = 	snop;
	(pc) =	sbr.ind lr, $3  }
0x3a: {  	_ = 	snop  }
0x3b: {  	_ = 	snop  }
0x3c: {  	p2 =	seq.s32 s10, $0x1;
	s10 =	sld [smem:$0x3FBA]  }
0x3d: {  	_ =	shalt  }
0x3e: {  	_ =	shalt  }
0x3f: {  	_ =	shalt  }
0x40: {  	_ =	shalt  }
0x41: {  	_ =	shalt  }
0x42: {  	_ =	shalt  }
0x43: {  	_ =	shalt  }
0x44: {  	_ =	shalt  }
0x45: {  	_ =	shalt  }
0x46: {  	_ =	shalt  }
0x47: {  	_ =	shalt  }
0x48: {  	_ =	shalt  }
0x49: {  	_ =	shalt  }
0x4a: {  	_ =	shalt  }
0x4b: {  	_ =	shalt  }
0x4c: {  	_ =	shalt  }
0x4d: {  	_ =	shalt  }
0x4e: {  	_ =	shalt  }
0x4f: {  	_ =	shalt  }
0x50: {  	_ =	shalt  }
0x51: {  	_ =	shalt  }
0x52: {  	_ =	shalt  }
0x53: {  	_ =	shalt  }
0x54: {  	_ =	shalt  }
0x55: {  	_ =	shalt  }
0x56: {  	_ =	shalt  }
0x57: {  	_ =	shalt  }
0x58: {  	_ =	shalt  }
0x59: {  	_ =	shalt  }
0x5a: {  	_ =	shalt  }
0x5b: {  	_ =	shalt  }
0x5c: {  	_ =	shalt  }
0x5d: {  	_ =	shalt  }
0x5e: {  	_ =	shalt  }
0x5f: {  	_ =	shalt  }
0x60: {  	_ =	shalt  }
0x61: {  	_ =	shalt  }
0x62: {  	_ =	shalt  }
0x63: {  	_ =	shalt  }
0x64: {  	_ =	shalt  }
0x65: {  	_ =	shalt  }
0x66: {  	_ =	shalt  }
0x67: {  	_ =	shalt  }
0x68: {  	_ =	shalt  }
0x69: {  	_ =	shalt  }
0x6a: {  	_ =	shalt  }
0x6b: {  	_ =	shalt  }
0x6c: {  	_ =	shalt  }
0x6d: {  	_ =	shalt  }
0x6e: {  	_ =	shalt  }
0x6f: {  	_ =	shalt  }
0x70: {  	_ =	shalt  }
0x71: {  	_ =	shalt  }
0x72: {  	_ =	shalt  }
0x73: {  	_ =	shalt  }
0x74: {  	_ =	shalt  }
0x75: {  	_ =	shalt  }
0x76: {  	_ =	shalt  }
0x77: {  	_ =	shalt  }
0x78: {  	_ =	shalt  }
0x79: {  	_ =	shalt  }
0x7a: {  	_ =	shalt  }
0x7b: {  	_ =	shalt  }
0x7c: {  	_ =	shalt  }
0x7d: {  	_ =	shalt  }
0x7e: {  	_ =	shalt  }
0x7f: {  	_ =	shalt  }
0x80: {  	_ =	shalt  }
0x81: {  	_ =	shalt  }
0x82: {  	_ =	shalt  }
0x83: {  	_ =	shalt  }
0x84: {  	_ =	shalt  }
0x85: {  	_ =	shalt  }
0x86: {  	_ =	shalt  }
0x87: {  	_ =	shalt  }
.Lfunc_end0:
.L_simem_size_0:
called_computation_lowered:
.L_overlay_start_0:
0x88: {  	s2 =	sld [smem:$0x3FD9]  }
0x89: {  	s3 =	sld [smem:$0x3FFE];
	_ =	sdelay $0x1  }
0x8a: {  	s1 =	srdreg.scid  }
0x8b: {  	s0 =	sand.u32 $0x1, s1  }
0x8c: {  	s15 =	sshll.u32 s0, $0xA;
	s2 =	sadd.s32 s3, s2  }
0x8d: {  	s2 =	sadd.s32 s2, s15  }
0x8e: {  	[smem:$0x3FC6] =	sst s2  }
0x8f: {  	_ = 	snop  }
0x90: {  	s2 =	sld [smem:$0x3FD0];
	_ =	sdelay $0x1  }
0x91: {  	s16 =	sld [smem:$0x3FC9]  }
0x92: {  	s5 =	simm.s32 $0xA;
	s6 =	simm.s32 $0x10;
	s4 =	sld [smem:$0x3FC8]  }
0x93: {  	[smem:s6], [sflag:s5] =	dma.local [hbm:s2], $0x1  }
0x94: {  	_ =	swait.eq [sflag:s5], $0x1  }
0x95: {  	[sflag:s5] =	ssyncset.done $0x0  }
0x96: {  	s17 =	sld [smem:$0x10];
	[sflag:s5] =	ssyncadd.s32 $0xFFFFFFFF  }
0x97: {  	s18 =	sld [smem:$0x11];
	(tm) =	ssettm $0x1  }
0x98: {  	s19 =	sld [smem:$0x3FFB];
	_ =	sdelay $0x3  }
0x99: {  	_ =	strace s19  }
0x9a: {  	s6 =	sld [smem:$0x3FFC];
	_ =	sdelay $0x3  }
0x9b: {  	_ =	strace s6  }
0x9c: {  	s6 =	sld [smem:$0x3FFD];
	_ =	sdelay $0x3  }
0x9d: {  	_ =	strace s6  }
0x9e: {  	_ =	strace $0x8FFFFFFF  }
0x9f: {  	s20 =	sld [smem:$0x3FDB];
	_ =	sdelay $0x1  }
0xa0: {  	s7 =	simm.s32 $_scs_section_size  }
0xa1: {  	s8 =	simm.s32 $_size__tile_overlayer_lowered;
	s9 =	simm.s32 $_tile_overlayer_lowered  }
0xa2: {  	s23 =	simm.s32 $0x1BFF;
	s22 =	sshll.u32 s9, $0x1;
	s6 =	sadd.s32 s7, s20  }
0xa3: {  	s10 =	simm.s32 $0x0;
	s21 =	sshll.u32 s8, $0x1;
	s8 =	sadd.s32 s22, s6  }
0xa4: {  	[timem:s10], [sflag:s23] =	dma.local [hbm:s8], s21  }
0xa5: {  	_ =	swait.ge [sflag:s23], s21  }
0xa6: {  	s7 =	ssub.s32 $0x0, s21;
	[sflag:s23] =	ssyncset.done $0x0  }
0xa7: {  	[sflag:s23] =	ssyncadd.s32 s7;
	_ =	sdelay $0x1  }
0xa8: {  	s24 =	simm.s32 $0x1B8B  }
0xa9: {  	_ =	swait.ge [sflag:s24], $0x1  }
0xaa: {  	[sflag:s24] =	ssyncset.done $0x0  }
0xab: {  	s25 =	simm.s32 $0x1B8E;
	[sflag:s24] =	ssyncadd.s32 $0xFFFFFFFF  }
0xac: {  	s26 =	simm.s32 $execute0_lowered;
	[smem:$0x3FD2] =	sst s25  }
0xad: {  	s7 =	sshll.u32 s26, $0x1;
	_ =	strace $0x80000046;
	[dreg:$0x1] =	wrdreg $0xFFFFFFFF  }
0xae: {  	s28 =	simm.s32 $_size_execute0_lowered;
	s6 =	sadd.s32 s6, s7;
	[dreg:$0x0] =	wrdreg $0x0  }
0xaf: {  	s7 =	sshll.u32 s28, $0x1;
	[dreg:$0x2] =	wrdreg s6  }
0xb0: {  	[dreg:$0x3] =	wrdreg s7  }
0xb1: {  	[dreg:$0x4] =	wrdreg $0xC0  }
0xb2: {  	_ =	task [dreg:s10], $0x5FFFF  }
0xb3: {  	[dreg:$0x1] =	wrdreg $0xFFFFFFFF  }
0xb4: {  	[dreg:$0x0] =	wrdreg $0x60  }
0xb5: {  	[dreg:$0x2] =	wrdreg s16  }
0xb6: {  	[dreg:$0x3] =	wrdreg s4  }
0xb7: {  	[dreg:$0x4] =	wrdreg s17  }
0xb8: {  	[dreg:$0x5] =	wrdreg s18  }
0xb9: {  	[dreg:$0x6] =	wrdreg $0x9  }
0xba: {  	_ =	task.clear_ibuf [dreg:s10], $0x7FFFF;
	_ =	strace $0x90000046  }
0xbb: {  	s29 =	simm.s32 $0x9;
	_ =	strace $0x80000048  }
0xbc: {  	_ =	swait.ge [sflag:s29], $0x1  }
0xbd: {  	[sflag:s29] =	ssyncadd.s32 $0xFFFFFFFF  }
0xbe: {  	_ =	strace $0x90000048  }
0xbf: {  	_ =	sfence  }
0xc0: {  	s30 =	sld [smem:$0x0];
	_ =	sdelay $0x2  }
0xc1: {  	s31 =	sshll.u32 s1, $0xD;
	s1 =	sshrl.u32 s1, $0x2  }
0xc2: {  	s3 =	sand.u32 $0x4000, s31;
	s1 =	sadd.s32 s1, s30  }
0xc3: {  	s0 =	sor.u32 s3, s0;
	s1 =	sshll.u32 s1, $0x11  }
0xc4: {  	s0 =	sor.u32 s1, s0  }
0xc5: {  	s0 =	sadd.s32 $0x8F2B, s0  }
0xc6: {  	[sflag:s0] =	ssyncadd.remote.s32 $0x1  }
0xc7: {  	_ =	sfence.sel $0xFFFF  }
0xc8: {  	[dreg:$0x0] =	wrdreg $0xFFFFFFFF;
	(pc) =	sbr.abs _section_cstart, $3  }
0xc9: {  	[dreg:$0x1] =	wrdreg $0xFFFFFFFF  }
0xca: {  	_ =	task.clear_ibuf [dreg:s10], $0x2FFFF;
	_ =	strace $0x9FFFFFFF  }
0xcb: {  	(tm) =	ssettm $0x7FFFFFFF  }
tec
execute0_lowered:
.L_overlay_start_1:
0x0: {  	(tag) =	ssettag $0x1  }
0x1: {  	s5 =	rddreg [dreg:$0x0]  }
0x2: {  	s7 =	rddreg [dreg:$0x1];
	s1 =	srdreg.scid  }
0x3: {  	s2 =	rddreg [dreg:$0x2];
	s0 =	stileid.u32;
	s12 =	sand.u32 $0x1, s1  }
0x4: {  	s3 =	rddreg [dreg:$0x3];
	s6 =	sshll.u32 s0, $0x6;
	s8 =	sshll.u32 s12, $0x5  }
0x5: {  	s4 =	simm.s32 $0x0;
	s1 =	rddreg [dreg:$0x4];
	s9 =	sor.u32 s8, s6  }
0x6: {  	[smem:$0x7FF] =	sst s4;
	s8 =	sshll.u32 s9, $0x4  }
0x7: {  	_ =	strace $0x80000047;
	s6 =	simm.s32 $0x80;
	s5 =	sadd.s32 s5, s8  }
0x8: {  	[tilespmem:s6], [sflag:$0x1] =	stream.linear.gather [hbm4b:s5+s4], $0x1000, $0x38;
	[tilespmem:$0x2080] =	vst v63  }
0x9: {  	v1 =	vlaneseq.u32;
	s10 =	sor.u32 $0x10, s9;
	s7 =	sadd.s32 s7, s8;
	s8 =	simm.s32 $0x1080  }
0xa: {  	v0 =	vor.u32 s9, v1;
	[tilespmem:s8], [sflag:$0x2] =	stream.linear.gather [hbm4b:s7+s4], $0x1000, $0x38;
	[tilespmem:$0x2080] =	vst v63  }
0xb: {  	v1 =	vor.u32 s10, v1;
	[tilespmem:$0x0] =	vst v0  }
0xc: {  	s9 =	simm.s32 $0x1;
	[tilespmem:$0x10] =	vst v1  }
0xd: {  	_ =	swait.ge [sflag:s9], $0x1000  }
0xe: {  	s11 =	simm.s32 $0x2;
	s13 =	ssub.s32 $0x2, s12;
	[sflag:s9] =	ssyncset.done $0x0  }
0xf: {  	s14 =	sshrl.u32 s13, $0x1;
	s10 =	simm.s32 $0x20;
	[sflag:s9] =	ssyncadd.s32 $0xFFFFF000  }
0x10: {  	[hbm4b:s2+s10] =	stream.indirect.scatter [tilespmem:s6], [sflag:$0x3], $0x80, s4, s10, $0xb8;
	[tilespmem:$0x2080] =	vst v63  }
0x11: {  	s13 =	ssub.s32 s13, s14;
	_ =	swait.ge [sflag:s11], $0x1000  }
0x12: {  	s14 =	smax.u32 s13, $0x1;
	[sflag:s11] =	ssyncset.done $0x0  }
0x13: {  	p0 =	sne.s32 s14, $0x1;
	[sflag:s11] =	ssyncadd.s32 $0xFFFFF000  }
0x14: {  	[hbm4b:s3+s10] =	stream.indirect.scatter [tilespmem:s8], [sflag:$0x4], $0x80, s4, s10, $0xb8;
	[tilespmem:$0x2080] =	vst v63  }
.Ltmp0:
0x15: {  	s12 =	simm.s32 $0x3;
	(pc) =	sbr.rel @!p0 .LBB2_2-.Ltmp0, $4  }
0x16: {  	_ =	swait.ge [sflag:s12], $0x1000  }
0x17: {  	[sflag:s12] =	ssyncset.done $0x0  }
0x18: {  	s13 =	simm.s32 $0x4;
	[sflag:s12] =	ssyncadd.s32 $0xFFFFF000  }
0x19: {  	s14 =	sadd.s32 $0xFFFFFFFF, s14;
	_ =	swait.ge [sflag:s13], $0x1000  }
.LBB2_1:
0x1a: {  	p0 =	sne.s32 s14, $0x1;
	s14 =	sadd.s32 $0xFFFFFFFF, s14;
	[sflag:s13] =	ssyncset.done $0x0  }
0x1b: {  	[sflag:s13] =	ssyncadd.s32 $0xFFFFF000  }
0x1c: {  	[tilespmem:s6], [sflag:$0x1] =	stream.linear.gather [hbm4b:s5+s4], $0x1000, $0x38;
	[tilespmem:$0x2080] =	vst v63  }
0x1d: {  	_ = 	snop  }
0x1e: {  	[tilespmem:s8], [sflag:$0x2] =	stream.linear.gather [hbm4b:s7+s4], $0x1000, $0x38;
	[tilespmem:$0x2080] =	vst v63  }
0x1f: {  	[tilespmem:$0x0] =	vst v0  }
0x20: {  	[tilespmem:$0x10] =	vst v1  }
0x21: {  	_ =	swait.ge [sflag:s9], $0x1000  }
0x22: {  	[sflag:s9] =	ssyncset.done $0x0  }
0x23: {  	[sflag:s9] =	ssyncadd.s32 $0xFFFFF000  }
0x24: {  	[hbm4b:s2+s10] =	stream.indirect.scatter [tilespmem:s6], [sflag:$0x3], $0x80, s4, s10, $0xb8;
	[tilespmem:$0x2080] =	vst v63  }
0x25: {  	_ =	swait.ge [sflag:s11], $0x1000  }
0x26: {  	[sflag:s11] =	ssyncset.done $0x0  }
0x27: {  	[sflag:s11] =	ssyncadd.s32 $0xFFFFF000  }
0x28: {  	[hbm4b:s3+s10] =	stream.indirect.scatter [tilespmem:s8], [sflag:$0x4], $0x80, s4, s10, $0xb8;
	[tilespmem:$0x2080] =	vst v63  }
.Ltmp1:
0x29: {  	_ = 	snop;
	(pc) =	sbr.rel @p0 .LBB2_1-.Ltmp1, $4  }
0x2a: {  	_ =	swait.ge [sflag:s12], $0x1000  }
0x2b: {  	[sflag:s12] =	ssyncset.done $0x0  }
0x2c: {  	[sflag:s12] =	ssyncadd.s32 $0xFFFFF000  }
0x2d: {  	_ =	swait.ge [sflag:s13], $0x1000  }
.LBB2_2:
0x2e: {  	[sflag:s13] =	ssyncset.done $0x0  }
0x2f: {  	[sflag:s13] =	ssyncadd.s32 $0xFFFFF000  }
0x30: {  	_ =	sfence.sel $0x180000  }
0x31: {  	[bflag:$0x0] =	sbarrier.arrive $0xFFFF  }
0x32: {  	p0 =	sne.s32 s0, $0x0;
	_ =	strace $0x90000047  }
0x33: {  	s0 =	sadd.s32 @!p0 $0x100000, s1;
	[bflag:$0x2] =	sbarrier.arrive $0xFFFF  }
0x34: {  	[sflag:s0] =	ssyncadd.tile.s32 @!p0 $0x1;
	_ =	shalt  }
.Lfunc_end2:
_tile_overlayer_lowered:
.L_overlay_start_2:
0x35: {  	(tag) =	ssettag $0x2  }
0x36: {  	s0 =	rddreg [dreg:$0x0];
	s2 =	stileid.u32  }
0x37: {  	s1 =	rddreg [dreg:$0x1];
	p0 =	sne.s32 s2, $0x0  }
0x38: {  	s3 =	rddreg [dreg:$0x2];
	[bflag:$0x3] =	sbarrier.arrive $0xFFFF;
	s2 =	simm.s32 @!p0 $0x1C05  }
0x39: {  	[timem:s3], [sflag:s2] =	dma.local @!p0 [hbm:s0], s1  }
0x3a: {  	s0 =	simm.s32 @!p0 $0x5  }
0x3b: {  	_ =	swait.ge @!p0 [sflag:s0], s1  }
0x3c: {  	s1 =	ssub.s32 @!p0 $0x0, s1;
	[sflag:s0] =	ssyncset.done @!p0 $0x0  }
0x3d: {  	[sflag:s0] =	ssyncadd.s32 @!p0 s1  }
0x3e: {  	[bflag:$0x3] =	sbarrier.arrive $0xFFFF  }
0x3f: {  	_ =	shalt  }

</sc_bundles>
